<compile_context>
chip_gen: v7x
topology: tpu7x:2x2x1
jax: 0.10.2.dev20260603
libtpu: 0.0.44.dev20260713+nightly
codegen_flags: <defaults>
</compile_context>

<pallas_src>
import functools

import jax
import jax.numpy as jnp
from jax import lax
from jax.experimental import pallas as pl
from jax.experimental.pallas import tpu as pltpu
from jax.experimental.pallas import tpu_sc as plsc

N_LABELS = 1000
PAD_LABELS = 1024
EMBED = 64
BATCH = 4096
T_STEPS = 200
T_OUT = T_STEPS - 1
NUM_CORES = 2
NUM_SUBCORES = 16
NW = NUM_CORES * NUM_SUBCORES
N_PAIRS = BATCH * T_OUT
IDX_W = N_PAIRS // NW
N_GROUP = 8
IDX_G = IDX_W // N_GROUP
ROW_BLOCK = 256
SEQ_BLOCK = 1024
N_SEQ_BLOCKS = BATCH // SEQ_BLOCK

NEG = -1e30


def _tc_idx_body(seq_ref, o_ref):
    sq = seq_ref[...]
    src = sq[:, :T_OUT]
    tgt = sq[:, 1:T_STEPS]
    pair = (src << 10) | tgt
    o_ref[...] = pair.T.reshape(SEQ_BLOCK * T_OUT)


def _tc_idx(label_sequences):
    return pl.pallas_call(
        _tc_idx_body,
        grid=(N_SEQ_BLOCKS,),
        in_specs=[pl.BlockSpec((SEQ_BLOCK, T_STEPS), lambda i: (i, 0))],
        out_specs=pl.BlockSpec((SEQ_BLOCK * T_OUT,), lambda i: (i,)),
        out_shape=jax.ShapeDtypeStruct((N_PAIRS,), jnp.int32),
    )(label_sequences)


def _tc_table_body(s_ref, t_ref, o_ref):
    s = s_ref[...]
    t = t_ref[...]
    logits = lax.dot_general(
        s, t, (((1,), (1,)), ((), ())),
        preferred_element_type=jnp.float32,
        precision=lax.Precision.HIGHEST,
    )
    col = lax.broadcasted_iota(jnp.int32, logits.shape, 1)
    logits = jnp.where(col < N_LABELS, logits, NEG)
    m = jnp.max(logits, axis=1, keepdims=True)
    lse = jnp.log(jnp.sum(jnp.exp(logits - m), axis=1, keepdims=True)) + m
    o_ref[...] = (logits - lse).reshape(ROW_BLOCK * PAD_LABELS)


def _tc_table(s_pad, t_pad):
    return pl.pallas_call(
        _tc_table_body,
        grid=(PAD_LABELS // ROW_BLOCK,),
        in_specs=[
            pl.BlockSpec((ROW_BLOCK, EMBED), lambda i: (i, 0)),
            pl.BlockSpec((PAD_LABELS, EMBED), lambda i: (0, 0)),
        ],
        out_specs=pl.BlockSpec((ROW_BLOCK * PAD_LABELS,), lambda i: (i,)),
        out_shape=jax.ShapeDtypeStruct((PAD_LABELS * PAD_LABELS,), jnp.float32),
    )(s_pad, t_pad)


@functools.partial(
    pl.kernel,
    out_type=jax.ShapeDtypeStruct((N_PAIRS,), jnp.float32),
    mesh=plsc.VectorSubcoreMesh(
        core_axis_name="c", subcore_axis_name="s"),
    scratch_types=[
        pltpu.VMEM((IDX_W,), jnp.int32),
        pltpu.VMEM((IDX_W,), jnp.float32),
        pltpu.SemaphoreType.DMA,
    ],
)
def _sc_gather(lp_hbm, idx_hbm, out_hbm, idx_v, val_v, sem):
    wid = lax.axis_index("s") * NUM_CORES + lax.axis_index("c")
    base = wid * IDX_W
    for g in range(N_GROUP):
        pltpu.sync_copy(idx_hbm.at[pl.ds(base + g * IDX_G, IDX_G)],
                        idx_v.at[pl.ds(g * IDX_G, IDX_G)])
        pltpu.async_copy(
            lp_hbm.at[idx_v.at[pl.ds(g * IDX_G, IDX_G)]],
            val_v.at[pl.ds(g * IDX_G, IDX_G)],
            sem,
        )
    pltpu.make_async_copy(
        lp_hbm.at[pl.ds(0, IDX_W)],
        val_v,
        sem,
    ).wait()
    pltpu.sync_copy(val_v, out_hbm.at[pl.ds(base, IDX_W)])


def kernel(label_sequences, source_embeddings, target_embeddings):
    s_pad = jnp.pad(source_embeddings, ((0, PAD_LABELS - N_LABELS), (0, 0)))
    t_pad = jnp.pad(target_embeddings, ((0, PAD_LABELS - N_LABELS), (0, 0)))
    idx = _tc_idx(label_sequences)
    table = _tc_table(s_pad, t_pad)
    flat = _sc_gather(table, idx)
    return (flat.reshape(N_SEQ_BLOCKS, T_OUT, SEQ_BLOCK)
            .transpose(0, 2, 1)
            .reshape(BATCH, T_OUT))

# --- scband reference (transcript-rebuilt; emitter-appended) ---
"""Pipeline reference for scband-truncated-crf-90718299226738 (READ-ONLY COPY).

The authoritative reference and input builder live on the scoring server;
editing this copy changes nothing except your own understanding.
"""

import jax, jax.numpy as jnp
import numpy as np

NUM_LABELS = 1000
EMBED_DIM = 64
BATCH = 4096
TIMESTEPS = 200


def setup_inputs(seed: int = 0) -> dict:
    key = jax.random.key(seed)
    k1, k2, k3 = jax.random.split(key, 3)
    label_sequences = jax.random.randint(k1, (BATCH, TIMESTEPS), 0, NUM_LABELS, dtype=jnp.int64 if jax.config.jax_enable_x64 else jnp.int32)
    source_embeddings = jax.random.normal(k2, (NUM_LABELS, EMBED_DIM), dtype=jnp.float32) * 0.02
    target_embeddings = jax.random.normal(k3, (NUM_LABELS, EMBED_DIM), dtype=jnp.float32) * 0.02
    return {
        "label_sequences": label_sequences,
        "source_embeddings": source_embeddings,
        "target_embeddings": target_embeddings,
    }


def reference(label_sequences, source_embeddings, target_embeddings):
    # Faithful to TruncatedCRF.get_transition_scores.
    # The torch code gathers unique source labels, computes a truncated score
    # matrix, log-softmaxes over ALL target labels (dim=1 spans the full
    # num_labels columns), then gathers per-(src,tgt) pairs. That is
    # mathematically identical to computing the full transition matrix and
    # gathering, which is what we do here (jit-friendly; no python set/dict).
    batch_size, timesteps = label_sequences.shape
    source_index = label_sequences[:, :-1].reshape(-1)
    target_index = label_sequences[:, 1:].reshape(-1)
    logits = jnp.matmul(source_embeddings, target_embeddings.T)
    log_probs = jax.nn.log_softmax(logits, axis=1)
    scores = log_probs[source_index, target_index]
    scores = scores.reshape(batch_size, timesteps - 1)
    return scores

if __name__ == "__main__":
    import jax
    _d = setup_inputs()
    print(jax.jit(kernel)(*tuple(_d.values())))

</pallas_src>

<mosaic_0001>
#map = affine_map<(d0, d1) -> (0)>
module attributes {stable_mosaic.version = 14 : i64} {
  func.func @_sc_gather(%arg0: i32, %arg1: i32, %arg2: memref<1048576xf32, #tpu.memory_space<hbm>>, %arg3: memref<815104xi32, #tpu.memory_space<hbm>>, %arg4: memref<815104xf32, #tpu.memory_space<hbm>>, %arg5: memref<25472xi32, #tpu.memory_space<vmem>>, %arg6: memref<25472xf32, #tpu.memory_space<vmem>>, %arg7: memref<!tpu.dma_semaphore, #tpu.memory_space<semaphore_mem>>) attributes {dimension_semantics = [#tpu.dimension_semantics<core_parallel>, #tpu.dimension_semantics<subcore_parallel>], iteration_bounds = array<i64: 2, 16>, scalar_prefetch = 0 : i64, scratch_operands = 3 : i64, tpu.core_type = #tpu.core_type<sc_vector_subcore>, window_params = [{transform_indices = #map}, {transform_indices = #map}, {transform_indices = #map}]} {
    %mul3A = arith.constant 2 : i32
    %mul3A_0 = arith.muli %arg1, %mul3A : i32
    %add3A = arith.addi %mul3A_0, %arg0 : i32
    %mul3A_1 = arith.constant 25472 : i32
    %mul3A_2 = arith.muli %add3A, %mul3A_1 : i32
    %add3A_3 = arith.constant 0 : i32
    %add3A_4 = arith.addi %mul3A_2, %add3A_3 : i32
    "tpu.region"() ({
      %run_scoped3A = tpu.sem_alloc : memref<!tpu.dma_semaphore, #tpu.memory_space<semaphore_mem>>
      %dma_start3A_69 = arith.constant 0 : i32
      %dma_start3A_70 = tpu.memref_slice %arg5[%dma_start3A_69] : memref<25472xi32, #tpu.memory_space<vmem>> -> memref<3184xi32, #tpu.memory_space<vmem>>
      %dma_start3A_71 = tpu.memref_slice %arg3[%add3A_4] : memref<815104xi32, #tpu.memory_space<hbm>> -> memref<3184xi32, #tpu.memory_space<hbm>>
      %dma_start3A_72 = arith.constant 0 : i32
      %dma_start3A_73 = tpu.memref_slice %arg5[%dma_start3A_72] : memref<25472xi32, #tpu.memory_space<vmem>> -> memref<3184xi32, #tpu.memory_space<vmem>>
      %dma_start3A_74 = tpu.memref_slice %arg3[%add3A_4] : memref<815104xi32, #tpu.memory_space<hbm>> -> memref<3184xi32, #tpu.memory_space<hbm>>
      tpu.enqueue_dma source(%dma_start3A_74 : memref<3184xi32, #tpu.memory_space<hbm>>) target(%dma_start3A_73 : memref<3184xi32, #tpu.memory_space<vmem>>) target_semaphore(%run_scoped3A : memref<!tpu.dma_semaphore, #tpu.memory_space<semaphore_mem>>)
      %dma_wait3A_75 = arith.constant 0 : i32
      %dma_wait3A_76 = tpu.memref_slice %arg5[%dma_wait3A_75] : memref<25472xi32, #tpu.memory_space<vmem>> -> memref<3184xi32, #tpu.memory_space<vmem>>
      %dma_wait3A_77 = tpu.memref_slice %arg3[%add3A_4] : memref<815104xi32, #tpu.memory_space<hbm>> -> memref<3184xi32, #tpu.memory_space<hbm>>
      %dma_wait3A_78 = arith.constant 0 : i32
      %dma_wait3A_79 = tpu.memref_slice %arg5[%dma_wait3A_78] : memref<25472xi32, #tpu.memory_space<vmem>> -> memref<3184xi32, #tpu.memory_space<vmem>>
      %dma_wait3A_80 = tpu.memref_slice %arg3[%add3A_4] : memref<815104xi32, #tpu.memory_space<hbm>> -> memref<3184xi32, #tpu.memory_space<hbm>>
      tpu.wait_dma2 semaphore(%run_scoped3A : memref<!tpu.dma_semaphore, #tpu.memory_space<semaphore_mem>>) src(%dma_wait3A_80 : memref<3184xi32, #tpu.memory_space<hbm>>) dst(%dma_wait3A_79 : memref<3184xi32, #tpu.memory_space<vmem>>)
      tpu.yield
    }) : () -> ()
    %dma_start3A = arith.constant 0 : i32
    %dma_start3A_5 = tpu.memref_slice %arg6[%dma_start3A] : memref<25472xf32, #tpu.memory_space<vmem>> -> memref<3184xf32, #tpu.memory_space<vmem>>
    %dma_start3A_6 = arith.constant 0 : i32
    %dma_start3A_7 = tpu.memref_slice %arg5[%dma_start3A_6] : memref<25472xi32, #tpu.memory_space<vmem>> -> memref<3184xi32, #tpu.memory_space<vmem>>
    %dma_start3A_8 = arith.constant 0 : i32
    %dma_start3A_9 = tpu.memref_slice %arg2[%dma_start3A_8] : memref<1048576xf32, #tpu.memory_space<hbm>> -> memref<1048576xf32, #tpu.memory_space<hbm>>
    tpu.enqueue_indirect_dma source(%dma_start3A_9 : memref<1048576xf32, #tpu.memory_space<hbm>>) target(%dma_start3A_5 : memref<3184xf32, #tpu.memory_space<vmem>>) offsets(%dma_start3A_7 : memref<3184xi32, #tpu.memory_space<vmem>>) semaphore(%arg7 : memref<!tpu.dma_semaphore, #tpu.memory_space<semaphore_mem>>)
    %add3A_10 = arith.constant 3184 : i32
    %add3A_11 = arith.addi %mul3A_2, %add3A_10 : i32
    "tpu.region"() ({
      %run_scoped3A = tpu.sem_alloc : memref<!tpu.dma_semaphore, #tpu.memory_space<semaphore_mem>>
      %dma_start3A_69 = arith.constant 3184 : i32
      %dma_start3A_70 = tpu.memref_slice %arg5[%dma_start3A_69] : memref<25472xi32, #tpu.memory_space<vmem>> -> memref<3184xi32, #tpu.memory_space<vmem>>
      %dma_start3A_71 = tpu.memref_slice %arg3[%add3A_11] : memref<815104xi32, #tpu.memory_space<hbm>> -> memref<3184xi32, #tpu.memory_space<hbm>>
      %dma_start3A_72 = arith.constant 3184 : i32
      %dma_start3A_73 = tpu.memref_slice %arg5[%dma_start3A_72] : memref<25472xi32, #tpu.memory_space<vmem>> -> memref<3184xi32, #tpu.memory_space<vmem>>
      %dma_start3A_74 = tpu.memref_slice %arg3[%add3A_11] : memref<815104xi32, #tpu.memory_space<hbm>> -> memref<3184xi32, #tpu.memory_space<hbm>>
      tpu.enqueue_dma source(%dma_start3A_74 : memref<3184xi32, #tpu.memory_space<hbm>>) target(%dma_start3A_73 : memref<3184xi32, #tpu.memory_space<vmem>>) target_semaphore(%run_scoped3A : memref<!tpu.dma_semaphore, #tpu.memory_space<semaphore_mem>>)
      %dma_wait3A_75 = arith.constant 3184 : i32
      %dma_wait3A_76 = tpu.memref_slice %arg5[%dma_wait3A_75] : memref<25472xi32, #tpu.memory_space<vmem>> -> memref<3184xi32, #tpu.memory_space<vmem>>
      %dma_wait3A_77 = tpu.memref_slice %arg3[%add3A_11] : memref<815104xi32, #tpu.memory_space<hbm>> -> memref<3184xi32, #tpu.memory_space<hbm>>
      %dma_wait3A_78 = arith.constant 3184 : i32
      %dma_wait3A_79 = tpu.memref_slice %arg5[%dma_wait3A_78] : memref<25472xi32, #tpu.memory_space<vmem>> -> memref<3184xi32, #tpu.memory_space<vmem>>
      %dma_wait3A_80 = tpu.memref_slice %arg3[%add3A_11] : memref<815104xi32, #tpu.memory_space<hbm>> -> memref<3184xi32, #tpu.memory_space<hbm>>
      tpu.wait_dma2 semaphore(%run_scoped3A : memref<!tpu.dma_semaphore, #tpu.memory_space<semaphore_mem>>) src(%dma_wait3A_80 : memref<3184xi32, #tpu.memory_space<hbm>>) dst(%dma_wait3A_79 : memref<3184xi32, #tpu.memory_space<vmem>>)
      tpu.yield
    }) : () -> ()
    %dma_start3A_12 = arith.constant 3184 : i32
    %dma_start3A_13 = tpu.memref_slice %arg6[%dma_start3A_12] : memref<25472xf32, #tpu.memory_space<vmem>> -> memref<3184xf32, #tpu.memory_space<vmem>>
    %dma_start3A_14 = arith.constant 3184 : i32
    %dma_start3A_15 = tpu.memref_slice %arg5[%dma_start3A_14] : memref<25472xi32, #tpu.memory_space<vmem>> -> memref<3184xi32, #tpu.memory_space<vmem>>
    %dma_start3A_16 = arith.constant 0 : i32
    %dma_start3A_17 = tpu.memref_slice %arg2[%dma_start3A_16] : memref<1048576xf32, #tpu.memory_space<hbm>> -> memref<1048576xf32, #tpu.memory_space<hbm>>
    tpu.enqueue_indirect_dma source(%dma_start3A_17 : memref<1048576xf32, #tpu.memory_space<hbm>>) target(%dma_start3A_13 : memref<3184xf32, #tpu.memory_space<vmem>>) offsets(%dma_start3A_15 : memref<3184xi32, #tpu.memory_space<vmem>>) semaphore(%arg7 : memref<!tpu.dma_semaphore, #tpu.memory_space<semaphore_mem>>)
    %add3A_18 = arith.constant 6368 : i32
    %add3A_19 = arith.addi %mul3A_2, %add3A_18 : i32
    "tpu.region"() ({
      %run_scoped3A = tpu.sem_alloc : memref<!tpu.dma_semaphore, #tpu.memory_space<semaphore_mem>>
      %dma_start3A_69 = arith.constant 6368 : i32
      %dma_start3A_70 = tpu.memref_slice %arg5[%dma_start3A_69] : memref<25472xi32, #tpu.memory_space<vmem>> -> memref<3184xi32, #tpu.memory_space<vmem>>
      %dma_start3A_71 = tpu.memref_slice %arg3[%add3A_19] : memref<815104xi32, #tpu.memory_space<hbm>> -> memref<3184xi32, #tpu.memory_space<hbm>>
      %dma_start3A_72 = arith.constant 6368 : i32
      %dma_start3A_73 = tpu.memref_slice %arg5[%dma_start3A_72] : memref<25472xi32, #tpu.memory_space<vmem>> -> memref<3184xi32, #tpu.memory_space<vmem>>
      %dma_start3A_74 = tpu.memref_slice %arg3[%add3A_19] : memref<815104xi32, #tpu.memory_space<hbm>> -> memref<3184xi32, #tpu.memory_space<hbm>>
      tpu.enqueue_dma source(%dma_start3A_74 : memref<3184xi32, #tpu.memory_space<hbm>>) target(%dma_start3A_73 : memref<3184xi32, #tpu.memory_space<vmem>>) target_semaphore(%run_scoped3A : memref<!tpu.dma_semaphore, #tpu.memory_space<semaphore_mem>>)
      %dma_wait3A_75 = arith.constant 6368 : i32
      %dma_wait3A_76 = tpu.memref_slice %arg5[%dma_wait3A_75] : memref<25472xi32, #tpu.memory_space<vmem>> -> memref<3184xi32, #tpu.memory_space<vmem>>
      %dma_wait3A_77 = tpu.memref_slice %arg3[%add3A_19] : memref<815104xi32, #tpu.memory_space<hbm>> -> memref<3184xi32, #tpu.memory_space<hbm>>
      %dma_wait3A_78 = arith.constant 6368 : i32
      %dma_wait3A_79 = tpu.memref_slice %arg5[%dma_wait3A_78] : memref<25472xi32, #tpu.memory_space<vmem>> -> memref<3184xi32, #tpu.memory_space<vmem>>
      %dma_wait3A_80 = tpu.memref_slice %arg3[%add3A_19] : memref<815104xi32, #tpu.memory_space<hbm>> -> memref<3184xi32, #tpu.memory_space<hbm>>
      tpu.wait_dma2 semaphore(%run_scoped3A : memref<!tpu.dma_semaphore, #tpu.memory_space<semaphore_mem>>) src(%dma_wait3A_80 : memref<3184xi32, #tpu.memory_space<hbm>>) dst(%dma_wait3A_79 : memref<3184xi32, #tpu.memory_space<vmem>>)
      tpu.yield
    }) : () -> ()
    %dma_start3A_20 = arith.constant 6368 : i32
    %dma_start3A_21 = tpu.memref_slice %arg6[%dma_start3A_20] : memref<25472xf32, #tpu.memory_space<vmem>> -> memref<3184xf32, #tpu.memory_space<vmem>>
    %dma_start3A_22 = arith.constant 6368 : i32
    %dma_start3A_23 = tpu.memref_slice %arg5[%dma_start3A_22] : memref<25472xi32, #tpu.memory_space<vmem>> -> memref<3184xi32, #tpu.memory_space<vmem>>
    %dma_start3A_24 = arith.constant 0 : i32
    %dma_start3A_25 = tpu.memref_slice %arg2[%dma_start3A_24] : memref<1048576xf32, #tpu.memory_space<hbm>> -> memref<1048576xf32, #tpu.memory_space<hbm>>
    tpu.enqueue_indirect_dma source(%dma_start3A_25 : memref<1048576xf32, #tpu.memory_space<hbm>>) target(%dma_start3A_21 : memref<3184xf32, #tpu.memory_space<vmem>>) offsets(%dma_start3A_23 : memref<3184xi32, #tpu.memory_space<vmem>>) semaphore(%arg7 : memref<!tpu.dma_semaphore, #tpu.memory_space<semaphore_mem>>)
    %add3A_26 = arith.constant 9552 : i32
    %add3A_27 = arith.addi %mul3A_2, %add3A_26 : i32
    "tpu.region"() ({
      %run_scoped3A = tpu.sem_alloc : memref<!tpu.dma_semaphore, #tpu.memory_space<semaphore_mem>>
      %dma_start3A_69 = arith.constant 9552 : i32
      %dma_start3A_70 = tpu.memref_slice %arg5[%dma_start3A_69] : memref<25472xi32, #tpu.memory_space<vmem>> -> memref<3184xi32, #tpu.memory_space<vmem>>
      %dma_start3A_71 = tpu.memref_slice %arg3[%add3A_27] : memref<815104xi32, #tpu.memory_space<hbm>> -> memref<3184xi32, #tpu.memory_space<hbm>>
      %dma_start3A_72 = arith.constant 9552 : i32
      %dma_start3A_73 = tpu.memref_slice %arg5[%dma_start3A_72] : memref<25472xi32, #tpu.memory_space<vmem>> -> memref<3184xi32, #tpu.memory_space<vmem>>
      %dma_start3A_74 = tpu.memref_slice %arg3[%add3A_27] : memref<815104xi32, #tpu.memory_space<hbm>> -> memref<3184xi32, #tpu.memory_space<hbm>>
      tpu.enqueue_dma source(%dma_start3A_74 : memref<3184xi32, #tpu.memory_space<hbm>>) target(%dma_start3A_73 : memref<3184xi32, #tpu.memory_space<vmem>>) target_semaphore(%run_scoped3A : memref<!tpu.dma_semaphore, #tpu.memory_space<semaphore_mem>>)
      %dma_wait3A_75 = arith.constant 9552 : i32
      %dma_wait3A_76 = tpu.memref_slice %arg5[%dma_wait3A_75] : memref<25472xi32, #tpu.memory_space<vmem>> -> memref<3184xi32, #tpu.memory_space<vmem>>
      %dma_wait3A_77 = tpu.memref_slice %arg3[%add3A_27] : memref<815104xi32, #tpu.memory_space<hbm>> -> memref<3184xi32, #tpu.memory_space<hbm>>
      %dma_wait3A_78 = arith.constant 9552 : i32
      %dma_wait3A_79 = tpu.memref_slice %arg5[%dma_wait3A_78] : memref<25472xi32, #tpu.memory_space<vmem>> -> memref<3184xi32, #tpu.memory_space<vmem>>
      %dma_wait3A_80 = tpu.memref_slice %arg3[%add3A_27] : memref<815104xi32, #tpu.memory_space<hbm>> -> memref<3184xi32, #tpu.memory_space<hbm>>
      tpu.wait_dma2 semaphore(%run_scoped3A : memref<!tpu.dma_semaphore, #tpu.memory_space<semaphore_mem>>) src(%dma_wait3A_80 : memref<3184xi32, #tpu.memory_space<hbm>>) dst(%dma_wait3A_79 : memref<3184xi32, #tpu.memory_space<vmem>>)
      tpu.yield
    }) : () -> ()
    %dma_start3A_28 = arith.constant 9552 : i32
    %dma_start3A_29 = tpu.memref_slice %arg6[%dma_start3A_28] : memref<25472xf32, #tpu.memory_space<vmem>> -> memref<3184xf32, #tpu.memory_space<vmem>>
    %dma_start3A_30 = arith.constant 9552 : i32
    %dma_start3A_31 = tpu.memref_slice %arg5[%dma_start3A_30] : memref<25472xi32, #tpu.memory_space<vmem>> -> memref<3184xi32, #tpu.memory_space<vmem>>
    %dma_start3A_32 = arith.constant 0 : i32
    %dma_start3A_33 = tpu.memref_slice %arg2[%dma_start3A_32] : memref<1048576xf32, #tpu.memory_space<hbm>> -> memref<1048576xf32, #tpu.memory_space<hbm>>
    tpu.enqueue_indirect_dma source(%dma_start3A_33 : memref<1048576xf32, #tpu.memory_space<hbm>>) target(%dma_start3A_29 : memref<3184xf32, #tpu.memory_space<vmem>>) offsets(%dma_start3A_31 : memref<3184xi32, #tpu.memory_space<vmem>>) semaphore(%arg7 : memref<!tpu.dma_semaphore, #tpu.memory_space<semaphore_mem>>)
    %add3A_34 = arith.constant 12736 : i32
    %add3A_35 = arith.addi %mul3A_2, %add3A_34 : i32
    "tpu.region"() ({
      %run_scoped3A = tpu.sem_alloc : memref<!tpu.dma_semaphore, #tpu.memory_space<semaphore_mem>>
      %dma_start3A_69 = arith.constant 12736 : i32
      %dma_start3A_70 = tpu.memref_slice %arg5[%dma_start3A_69] : memref<25472xi32, #tpu.memory_space<vmem>> -> memref<3184xi32, #tpu.memory_space<vmem>>
      %dma_start3A_71 = tpu.memref_slice %arg3[%add3A_35] : memref<815104xi32, #tpu.memory_space<hbm>> -> memref<3184xi32, #tpu.memory_space<hbm>>
      %dma_start3A_72 = arith.constant 12736 : i32
      %dma_start3A_73 = tpu.memref_slice %arg5[%dma_start3A_72] : memref<25472xi32, #tpu.memory_space<vmem>> -> memref<3184xi32, #tpu.memory_space<vmem>>
      %dma_start3A_74 = tpu.memref_slice %arg3[%add3A_35] : memref<815104xi32, #tpu.memory_space<hbm>> -> memref<3184xi32, #tpu.memory_space<hbm>>
      tpu.enqueue_dma source(%dma_start3A_74 : memref<3184xi32, #tpu.memory_space<hbm>>) target(%dma_start3A_73 : memref<3184xi32, #tpu.memory_space<vmem>>) target_semaphore(%run_scoped3A : memref<!tpu.dma_semaphore, #tpu.memory_space<semaphore_mem>>)
      %dma_wait3A_75 = arith.constant 12736 : i32
      %dma_wait3A_76 = tpu.memref_slice %arg5[%dma_wait3A_75] : memref<25472xi32, #tpu.memory_space<vmem>> -> memref<3184xi32, #tpu.memory_space<vmem>>
      %dma_wait3A_77 = tpu.memref_slice %arg3[%add3A_35] : memref<815104xi32, #tpu.memory_space<hbm>> -> memref<3184xi32, #tpu.memory_space<hbm>>
      %dma_wait3A_78 = arith.constant 12736 : i32
      %dma_wait3A_79 = tpu.memref_slice %arg5[%dma_wait3A_78] : memref<25472xi32, #tpu.memory_space<vmem>> -> memref<3184xi32, #tpu.memory_space<vmem>>
      %dma_wait3A_80 = tpu.memref_slice %arg3[%add3A_35] : memref<815104xi32, #tpu.memory_space<hbm>> -> memref<3184xi32, #tpu.memory_space<hbm>>
      tpu.wait_dma2 semaphore(%run_scoped3A : memref<!tpu.dma_semaphore, #tpu.memory_space<semaphore_mem>>) src(%dma_wait3A_80 : memref<3184xi32, #tpu.memory_space<hbm>>) dst(%dma_wait3A_79 : memref<3184xi32, #tpu.memory_space<vmem>>)
      tpu.yield
    }) : () -> ()
    %dma_start3A_36 = arith.constant 12736 : i32
    %dma_start3A_37 = tpu.memref_slice %arg6[%dma_start3A_36] : memref<25472xf32, #tpu.memory_space<vmem>> -> memref<3184xf32, #tpu.memory_space<vmem>>
    %dma_start3A_38 = arith.constant 12736 : i32
    %dma_start3A_39 = tpu.memref_slice %arg5[%dma_start3A_38] : memref<25472xi32, #tpu.memory_space<vmem>> -> memref<3184xi32, #tpu.memory_space<vmem>>
    %dma_start3A_40 = arith.constant 0 : i32
    %dma_start3A_41 = tpu.memref_slice %arg2[%dma_start3A_40] : memref<1048576xf32, #tpu.memory_space<hbm>> -> memref<1048576xf32, #tpu.memory_space<hbm>>
    tpu.enqueue_indirect_dma source(%dma_start3A_41 : memref<1048576xf32, #tpu.memory_space<hbm>>) target(%dma_start3A_37 : memref<3184xf32, #tpu.memory_space<vmem>>) offsets(%dma_start3A_39 : memref<3184xi32, #tpu.memory_space<vmem>>) semaphore(%arg7 : memref<!tpu.dma_semaphore, #tpu.memory_space<semaphore_mem>>)
    %add3A_42 = arith.constant 15920 : i32
    %add3A_43 = arith.addi %mul3A_2, %add3A_42 : i32
    "tpu.region"() ({
      %run_scoped3A = tpu.sem_alloc : memref<!tpu.dma_semaphore, #tpu.memory_space<semaphore_mem>>
      %dma_start3A_69 = arith.constant 15920 : i32
      %dma_start3A_70 = tpu.memref_slice %arg5[%dma_start3A_69] : memref<25472xi32, #tpu.memory_space<vmem>> -> memref<3184xi32, #tpu.memory_space<vmem>>
      %dma_start3A_71 = tpu.memref_slice %arg3[%add3A_43] : memref<815104xi32, #tpu.memory_space<hbm>> -> memref<3184xi32, #tpu.memory_space<hbm>>
      %dma_start3A_72 = arith.constant 15920 : i32
      %dma_start3A_73 = tpu.memref_slice %arg5[%dma_start3A_72] : memref<25472xi32, #tpu.memory_space<vmem>> -> memref<3184xi32, #tpu.memory_space<vmem>>
      %dma_start3A_74 = tpu.memref_slice %arg3[%add3A_43] : memref<815104xi32, #tpu.memory_space<hbm>> -> memref<3184xi32, #tpu.memory_space<hbm>>
      tpu.enqueue_dma source(%dma_start3A_74 : memref<3184xi32, #tpu.memory_space<hbm>>) target(%dma_start3A_73 : memref<3184xi32, #tpu.memory_space<vmem>>) target_semaphore(%run_scoped3A : memref<!tpu.dma_semaphore, #tpu.memory_space<semaphore_mem>>)
      %dma_wait3A_75 = arith.constant 15920 : i32
      %dma_wait3A_76 = tpu.memref_slice %arg5[%dma_wait3A_75] : memref<25472xi32, #tpu.memory_space<vmem>> -> memref<3184xi32, #tpu.memory_space<vmem>>
      %dma_wait3A_77 = tpu.memref_slice %arg3[%add3A_43] : memref<815104xi32, #tpu.memory_space<hbm>> -> memref<3184xi32, #tpu.memory_space<hbm>>
      %dma_wait3A_78 = arith.constant 15920 : i32
      %dma_wait3A_79 = tpu.memref_slice %arg5[%dma_wait3A_78] : memref<25472xi32, #tpu.memory_space<vmem>> -> memref<3184xi32, #tpu.memory_space<vmem>>
      %dma_wait3A_80 = tpu.memref_slice %arg3[%add3A_43] : memref<815104xi32, #tpu.memory_space<hbm>> -> memref<3184xi32, #tpu.memory_space<hbm>>
      tpu.wait_dma2 semaphore(%run_scoped3A : memref<!tpu.dma_semaphore, #tpu.memory_space<semaphore_mem>>) src(%dma_wait3A_80 : memref<3184xi32, #tpu.memory_space<hbm>>) dst(%dma_wait3A_79 : memref<3184xi32, #tpu.memory_space<vmem>>)
      tpu.yield
    }) : () -> ()
    %dma_start3A_44 = arith.constant 15920 : i32
    %dma_start3A_45 = tpu.memref_slice %arg6[%dma_start3A_44] : memref<25472xf32, #tpu.memory_space<vmem>> -> memref<3184xf32, #tpu.memory_space<vmem>>
    %dma_start3A_46 = arith.constant 15920 : i32
    %dma_start3A_47 = tpu.memref_slice %arg5[%dma_start3A_46] : memref<25472xi32, #tpu.memory_space<vmem>> -> memref<3184xi32, #tpu.memory_space<vmem>>
    %dma_start3A_48 = arith.constant 0 : i32
    %dma_start3A_49 = tpu.memref_slice %arg2[%dma_start3A_48] : memref<1048576xf32, #tpu.memory_space<hbm>> -> memref<1048576xf32, #tpu.memory_space<hbm>>
    tpu.enqueue_indirect_dma source(%dma_start3A_49 : memref<1048576xf32, #tpu.memory_space<hbm>>) target(%dma_start3A_45 : memref<3184xf32, #tpu.memory_space<vmem>>) offsets(%dma_start3A_47 : memref<3184xi32, #tpu.memory_space<vmem>>) semaphore(%arg7 : memref<!tpu.dma_semaphore, #tpu.memory_space<semaphore_mem>>)
    %add3A_50 = arith.constant 19104 : i32
    %add3A_51 = arith.addi %mul3A_2, %add3A_50 : i32
    "tpu.region"() ({
      %run_scoped3A = tpu.sem_alloc : memref<!tpu.dma_semaphore, #tpu.memory_space<semaphore_mem>>
      %dma_start3A_69 = arith.constant 19104 : i32
      %dma_start3A_70 = tpu.memref_slice %arg5[%dma_start3A_69] : memref<25472xi32, #tpu.memory_space<vmem>> -> memref<3184xi32, #tpu.memory_space<vmem>>
      %dma_start3A_71 = tpu.memref_slice %arg3[%add3A_51] : memref<815104xi32, #tpu.memory_space<hbm>> -> memref<3184xi32, #tpu.memory_space<hbm>>
      %dma_start3A_72 = arith.constant 19104 : i32
      %dma_start3A_73 = tpu.memref_slice %arg5[%dma_start3A_72] : memref<25472xi32, #tpu.memory_space<vmem>> -> memref<3184xi32, #tpu.memory_space<vmem>>
      %dma_start3A_74 = tpu.memref_slice %arg3[%add3A_51] : memref<815104xi32, #tpu.memory_space<hbm>> -> memref<3184xi32, #tpu.memory_space<hbm>>
      tpu.enqueue_dma source(%dma_start3A_74 : memref<3184xi32, #tpu.memory_space<hbm>>) target(%dma_start3A_73 : memref<3184xi32, #tpu.memory_space<vmem>>) target_semaphore(%run_scoped3A : memref<!tpu.dma_semaphore, #tpu.memory_space<semaphore_mem>>)
      %dma_wait3A_75 = arith.constant 19104 : i32
      %dma_wait3A_76 = tpu.memref_slice %arg5[%dma_wait3A_75] : memref<25472xi32, #tpu.memory_space<vmem>> -> memref<3184xi32, #tpu.memory_space<vmem>>
      %dma_wait3A_77 = tpu.memref_slice %arg3[%add3A_51] : memref<815104xi32, #tpu.memory_space<hbm>> -> memref<3184xi32, #tpu.memory_space<hbm>>
      %dma_wait3A_78 = arith.constant 19104 : i32
      %dma_wait3A_79 = tpu.memref_slice %arg5[%dma_wait3A_78] : memref<25472xi32, #tpu.memory_space<vmem>> -> memref<3184xi32, #tpu.memory_space<vmem>>
      %dma_wait3A_80 = tpu.memref_slice %arg3[%add3A_51] : memref<815104xi32, #tpu.memory_space<hbm>> -> memref<3184xi32, #tpu.memory_space<hbm>>
      tpu.wait_dma2 semaphore(%run_scoped3A : memref<!tpu.dma_semaphore, #tpu.memory_space<semaphore_mem>>) src(%dma_wait3A_80 : memref<3184xi32, #tpu.memory_space<hbm>>) dst(%dma_wait3A_79 : memref<3184xi32, #tpu.memory_space<vmem>>)
      tpu.yield
    }) : () -> ()
    %dma_start3A_52 = arith.constant 19104 : i32
    %dma_start3A_53 = tpu.memref_slice %arg6[%dma_start3A_52] : memref<25472xf32, #tpu.memory_space<vmem>> -> memref<3184xf32, #tpu.memory_space<vmem>>
    %dma_start3A_54 = arith.constant 19104 : i32
    %dma_start3A_55 = tpu.memref_slice %arg5[%dma_start3A_54] : memref<25472xi32, #tpu.memory_space<vmem>> -> memref<3184xi32, #tpu.memory_space<vmem>>
    %dma_start3A_56 = arith.constant 0 : i32
    %dma_start3A_57 = tpu.memref_slice %arg2[%dma_start3A_56] : memref<1048576xf32, #tpu.memory_space<hbm>> -> memref<1048576xf32, #tpu.memory_space<hbm>>
    tpu.enqueue_indirect_dma source(%dma_start3A_57 : memref<1048576xf32, #tpu.memory_space<hbm>>) target(%dma_start3A_53 : memref<3184xf32, #tpu.memory_space<vmem>>) offsets(%dma_start3A_55 : memref<3184xi32, #tpu.memory_space<vmem>>) semaphore(%arg7 : memref<!tpu.dma_semaphore, #tpu.memory_space<semaphore_mem>>)
    %add3A_58 = arith.constant 22288 : i32
    %add3A_59 = arith.addi %mul3A_2, %add3A_58 : i32
    "tpu.region"() ({
      %run_scoped3A = tpu.sem_alloc : memref<!tpu.dma_semaphore, #tpu.memory_space<semaphore_mem>>
      %dma_start3A_69 = arith.constant 22288 : i32
      %dma_start3A_70 = tpu.memref_slice %arg5[%dma_start3A_69] : memref<25472xi32, #tpu.memory_space<vmem>> -> memref<3184xi32, #tpu.memory_space<vmem>>
      %dma_start3A_71 = tpu.memref_slice %arg3[%add3A_59] : memref<815104xi32, #tpu.memory_space<hbm>> -> memref<3184xi32, #tpu.memory_space<hbm>>
      %dma_start3A_72 = arith.constant 22288 : i32
      %dma_start3A_73 = tpu.memref_slice %arg5[%dma_start3A_72] : memref<25472xi32, #tpu.memory_space<vmem>> -> memref<3184xi32, #tpu.memory_space<vmem>>
      %dma_start3A_74 = tpu.memref_slice %arg3[%add3A_59] : memref<815104xi32, #tpu.memory_space<hbm>> -> memref<3184xi32, #tpu.memory_space<hbm>>
      tpu.enqueue_dma source(%dma_start3A_74 : memref<3184xi32, #tpu.memory_space<hbm>>) target(%dma_start3A_73 : memref<3184xi32, #tpu.memory_space<vmem>>) target_semaphore(%run_scoped3A : memref<!tpu.dma_semaphore, #tpu.memory_space<semaphore_mem>>)
      %dma_wait3A_75 = arith.constant 22288 : i32
      %dma_wait3A_76 = tpu.memref_slice %arg5[%dma_wait3A_75] : memref<25472xi32, #tpu.memory_space<vmem>> -> memref<3184xi32, #tpu.memory_space<vmem>>
      %dma_wait3A_77 = tpu.memref_slice %arg3[%add3A_59] : memref<815104xi32, #tpu.memory_space<hbm>> -> memref<3184xi32, #tpu.memory_space<hbm>>
      %dma_wait3A_78 = arith.constant 22288 : i32
      %dma_wait3A_79 = tpu.memref_slice %arg5[%dma_wait3A_78] : memref<25472xi32, #tpu.memory_space<vmem>> -> memref<3184xi32, #tpu.memory_space<vmem>>
      %dma_wait3A_80 = tpu.memref_slice %arg3[%add3A_59] : memref<815104xi32, #tpu.memory_space<hbm>> -> memref<3184xi32, #tpu.memory_space<hbm>>
      tpu.wait_dma2 semaphore(%run_scoped3A : memref<!tpu.dma_semaphore, #tpu.memory_space<semaphore_mem>>) src(%dma_wait3A_80 : memref<3184xi32, #tpu.memory_space<hbm>>) dst(%dma_wait3A_79 : memref<3184xi32, #tpu.memory_space<vmem>>)
      tpu.yield
    }) : () -> ()
    %dma_start3A_60 = arith.constant 22288 : i32
    %dma_start3A_61 = tpu.memref_slice %arg6[%dma_start3A_60] : memref<25472xf32, #tpu.memory_space<vmem>> -> memref<3184xf32, #tpu.memory_space<vmem>>
    %dma_start3A_62 = arith.constant 22288 : i32
    %dma_start3A_63 = tpu.memref_slice %arg5[%dma_start3A_62] : memref<25472xi32, #tpu.memory_space<vmem>> -> memref<3184xi32, #tpu.memory_space<vmem>>
    %dma_start3A_64 = arith.constant 0 : i32
    %dma_start3A_65 = tpu.memref_slice %arg2[%dma_start3A_64] : memref<1048576xf32, #tpu.memory_space<hbm>> -> memref<1048576xf32, #tpu.memory_space<hbm>>
    tpu.enqueue_indirect_dma source(%dma_start3A_65 : memref<1048576xf32, #tpu.memory_space<hbm>>) target(%dma_start3A_61 : memref<3184xf32, #tpu.memory_space<vmem>>) offsets(%dma_start3A_63 : memref<3184xi32, #tpu.memory_space<vmem>>) semaphore(%arg7 : memref<!tpu.dma_semaphore, #tpu.memory_space<semaphore_mem>>)
    %dma_wait3A = arith.constant 0 : i32
    %dma_wait3A_66 = tpu.memref_slice %arg2[%dma_wait3A] : memref<1048576xf32, #tpu.memory_space<hbm>> -> memref<25472xf32, #tpu.memory_space<hbm>>
    %dma_wait3A_67 = arith.constant 0 : i32
    %dma_wait3A_68 = tpu.memref_slice %arg2[%dma_wait3A_67] : memref<1048576xf32, #tpu.memory_space<hbm>> -> memref<25472xf32, #tpu.memory_space<hbm>>
    tpu.wait_dma2 semaphore(%arg7 : memref<!tpu.dma_semaphore, #tpu.memory_space<semaphore_mem>>) src(%dma_wait3A_68 : memref<25472xf32, #tpu.memory_space<hbm>>) dst(%arg6 : memref<25472xf32, #tpu.memory_space<vmem>>)
    "tpu.region"() ({
      %run_scoped3A = tpu.sem_alloc : memref<!tpu.dma_semaphore, #tpu.memory_space<semaphore_mem>>
      %dma_start3A_69 = tpu.memref_slice %arg4[%mul3A_2] : memref<815104xf32, #tpu.memory_space<hbm>> -> memref<25472xf32, #tpu.memory_space<hbm>>
      %dma_start3A_70 = tpu.memref_slice %arg4[%mul3A_2] : memref<815104xf32, #tpu.memory_space<hbm>> -> memref<25472xf32, #tpu.memory_space<hbm>>
      tpu.enqueue_dma source(%arg6 : memref<25472xf32, #tpu.memory_space<vmem>>) target(%dma_start3A_70 : memref<25472xf32, #tpu.memory_space<hbm>>) target_semaphore(%run_scoped3A : memref<!tpu.dma_semaphore, #tpu.memory_space<semaphore_mem>>)
      %dma_wait3A_71 = tpu.memref_slice %arg4[%mul3A_2] : memref<815104xf32, #tpu.memory_space<hbm>> -> memref<25472xf32, #tpu.memory_space<hbm>>
      %dma_wait3A_72 = tpu.memref_slice %arg4[%mul3A_2] : memref<815104xf32, #tpu.memory_space<hbm>> -> memref<25472xf32, #tpu.memory_space<hbm>>
      tpu.wait_dma2 semaphore(%run_scoped3A : memref<!tpu.dma_semaphore, #tpu.memory_space<semaphore_mem>>) src(%arg6 : memref<25472xf32, #tpu.memory_space<vmem>>) dst(%dma_wait3A_72 : memref<25472xf32, #tpu.memory_space<hbm>>)
      tpu.yield
    }) : () -> ()
    return
  }
}

module attributes {stable_mosaic.version = 14 : i64} {
  func.func @_tc_idx_body(%arg0: i32, %arg1: memref<1024x200xi32, #tpu.memory_space<vmem>>, %arg2: memref<203776xi32, #tpu.memory_space<vmem>>) attributes {dimension_semantics = [#tpu.dimension_semantics<arbitrary>], iteration_bounds = array<i64: 4>, scalar_prefetch = 0 : i64, scratch_operands = 0 : i64, tpu.core_type = #tpu.core_type<tc>, window_params = [{transform_indices = @transform_0, window_bounds = array<i64: 1024, 200>}, {transform_indices = @transform_1, window_bounds = array<i64: 203776>}]} {
    %get3A = arith.constant 0 : index
    %get3A_0 = arith.constant 0 : index
    %get3A_1 = vector.load %arg1[%get3A, %get3A_0] : memref<1024x200xi32, #tpu.memory_space<vmem>>, vector<1024x200xi32>
    %slice3A = vector.extract_strided_slice %get3A_1 {offsets = [0, 0], sizes = [1024, 199], strides = [1, 1]} : vector<1024x200xi32> to vector<1024x199xi32>
    %slice3A_2 = vector.extract_strided_slice %get3A_1 {offsets = [0, 1], sizes = [1024, 199], strides = [1, 1]} : vector<1024x200xi32> to vector<1024x199xi32>
    %shift_left3A = arith.constant 10 : i32
    %shift_left3A_3 = vector.broadcast %shift_left3A : i32 to vector<1024x199xi32>
    %shift_left3A_4 = arith.shli %slice3A, %shift_left3A_3 : vector<1024x199xi32>
    %or3A = arith.ori %shift_left3A_4, %slice3A_2 : vector<1024x199xi32>
    %transpose3A = tpu.transpose %or3A, [1, 0] : vector<1024x199xi32> -> vector<199x1024xi32>
    %reshape3A = vector.shape_cast %transpose3A : vector<199x1024xi32> to vector<203776xi32>
    %swap3A = arith.constant 0 : index
    %swap3A_5 = vector.load %arg2[%swap3A] : memref<203776xi32, #tpu.memory_space<vmem>>, vector<203776xi32>
    tpu.vector_store %arg2[%swap3A], %reshape3A {strides = array<i32>} : memref<203776xi32, #tpu.memory_space<vmem>>, vector<203776xi32>,
    return
  }
  func.func @transform_0(%arg0: i32) -> (i32, i32) {
    %c0_i32 = arith.constant 0 : i32
    %c0_i32_0 = arith.constant 0 : i32
    return %arg0, %c0_i32 : i32, i32
  }
  func.func @transform_1(%arg0: i32) -> i32 {
    %c0_i32 = arith.constant 0 : i32
    return %arg0 : i32
  }
}

module attributes {stable_mosaic.version = 14 : i64} {
  func.func @_tc_table_body(%arg0: i32, %arg1: memref<256x64xf32, #tpu.memory_space<vmem>>, %arg2: memref<1024x64xf32, #tpu.memory_space<vmem>>, %arg3: memref<262144xf32, #tpu.memory_space<vmem>>) attributes {dimension_semantics = [#tpu.dimension_semantics<arbitrary>], iteration_bounds = array<i64: 4>, scalar_prefetch = 0 : i64, scratch_operands = 0 : i64, tpu.core_type = #tpu.core_type<tc>, window_params = [{transform_indices = @transform_0, window_bounds = array<i64: 256, 64>}, {pipeline_mode = #tpu.pipeline_mode<synchronous>, transform_indices = @transform_1, window_bounds = array<i64: 1024, 64>}, {transform_indices = @transform_2, window_bounds = array<i64: 262144>}]} {
    %get3A = arith.constant 0 : index
    %get3A_0 = arith.constant 0 : index
    %get3A_1 = vector.load %arg1[%get3A, %get3A_0] : memref<256x64xf32, #tpu.memory_space<vmem>>, vector<256x64xf32>
    %get3A_2 = arith.constant 0 : index
    %get3A_3 = arith.constant 0 : index
    %get3A_4 = vector.load %arg2[%get3A_2, %get3A_3] : memref<1024x64xf32, #tpu.memory_space<vmem>>, vector<1024x64xf32>
    %dot_general3A = arith.constant dense<0.000000e+00> : vector<256x1024xf32>
    %dot_general3A_5 = tpu.matmul %get3A_1, %get3A_4, %dot_general3A {dimension_numbers = #tpu.dot_dimension_numbers<[1], [1], [0], [0], [0, 0, 1, 0], [], []>, precision = #tpu.contract_precision<fp32>, transpose_lhs_hint = false} : vector<256x64xf32>, vector<1024x64xf32>, vector<256x1024xf32> -> vector<256x1024xf32>
    %iota3A = tpu.iota {dimensions = array<i32: 1>} : vector<256x1024xi32>
    %lt3A = arith.constant 1000 : i32
    %lt3A_6 = vector.broadcast %lt3A : i32 to vector<256x1024xi32>
    %lt3A_7 = arith.cmpi slt, %iota3A, %lt3A_6 : vector<256x1024xi32>
    %jit3A = arith.constant -1.000000e+30 : f32
    %broadcast_in_dim3A = vector.broadcast %jit3A : f32 to vector<256x1024xf32>
    %select_n3A = arith.select %lt3A_7, %dot_general3A_5, %broadcast_in_dim3A : vector<256x1024xi1>, vector<256x1024xf32>
    %reduce_max3A = arith.constant dense<0xFF800000> : vector<256xf32>
    %reduce_max3A_8 = vector.multi_reduction <maximumf>, %select_n3A, %reduce_max3A [1] : vector<256x1024xf32> to vector<256xf32>
    %broadcast_in_dim3A_9 = vector.shape_cast %reduce_max3A_8 : vector<256xf32> to vector<256x1xf32>
    %sub3A = vector.broadcast %broadcast_in_dim3A_9 : vector<256x1xf32> to vector<256x1024xf32>
    %sub3A_10 = arith.subf %select_n3A, %sub3A : vector<256x1024xf32>
    %exp3A = math.exp %sub3A_10 : vector<256x1024xf32>
    %reduce_sum3A = arith.constant dense<0.000000e+00> : vector<256xf32>
    %reduce_sum3A_11 = vector.multi_reduction <add>, %exp3A, %reduce_sum3A [1] : vector<256x1024xf32> to vector<256xf32>
    %broadcast_in_dim3A_12 = vector.shape_cast %reduce_sum3A_11 : vector<256xf32> to vector<256x1xf32>
    %log3A = math.log %broadcast_in_dim3A_12 : vector<256x1xf32>
    %add3A = arith.addf %log3A, %broadcast_in_dim3A_9 : vector<256x1xf32>
    %sub3A_13 = vector.broadcast %add3A : vector<256x1xf32> to vector<256x1024xf32>
    %sub3A_14 = arith.subf %select_n3A, %sub3A_13 : vector<256x1024xf32>
    %reshape3A = vector.shape_cast %sub3A_14 : vector<256x1024xf32> to vector<262144xf32>
    %swap3A = arith.constant 0 : index
    %swap3A_15 = vector.load %arg3[%swap3A] : memref<262144xf32, #tpu.memory_space<vmem>>, vector<262144xf32>
    tpu.vector_store %arg3[%swap3A], %reshape3A {strides = array<i32>} : memref<262144xf32, #tpu.memory_space<vmem>>, vector<262144xf32>,
    return
  }
  func.func @transform_0(%arg0: i32) -> (i32, i32) {
    %c0_i32 = arith.constant 0 : i32
    %c0_i32_0 = arith.constant 0 : i32
    return %arg0, %c0_i32 : i32, i32
  }
  func.func @transform_1(%arg0: i32) -> (i32, i32) {
    %c0_i32 = arith.constant 0 : i32
    %c0_i32_0 = arith.constant 0 : i32
    %c0_i32_1 = arith.constant 0 : i32
    return %c0_i32, %c0_i32_0 : i32, i32
  }
  func.func @transform_2(%arg0: i32) -> i32 {
    %c0_i32 = arith.constant 0 : i32
    return %arg0 : i32
  }
}

</mosaic_0001>

<sc_bundles>
// kernel: kernel.5.cloned.1.call-start
scs
__scs_entry_jumppad:
0x0: {  	(pc) =	sbr.rel $0x88, $3  }
0x1: {  	(tag) =	ssettag $0x0;
	lr =	simm.s32 $0x1  }
0x2: {  	[smem:$0x3F9E] =	sst lr;
	_ =	strace $0xD0000000  }
0x3: {  	_ = 	snop  }
0x4: {  	_ = 	snop  }
0x5: {  	_ = 	snop  }
0x6: {  	_ = 	snop  }
0x7: {  	_ = 	snop  }
__scs_overlays_trampoline_lowered:
0x8: {  	[smem:$0x3FAD] =	sst s0  }
0x9: {  	[smem:$0x3FAE] =	sst s1  }
0xa: {  	[smem:$0x3FAF] =	sst s2  }
0xb: {  	[smem:$0x3FB0] =	sst s3  }
0xc: {  	[smem:$0x3FB1] =	sst s4  }
0xd: {  	[smem:$0x3FB2] =	sst s5  }
0xe: {  	[smem:$0x3FB3] =	sst s6  }
0xf: {  	[smem:$0x3FB4] =	sst s7  }
0x10: {  	[smem:$0x3FB5] =	sst s8  }
0x11: {  	[smem:$0x3FB6] =	sst s9;
	s0 =	simm.s32 @!p0 $0x0  }
0x12: {  	s1 =	sld [smem:$0x3F9C];
	s0 =	simm.s32 @p0 $0x1  }
0x13: {  	[smem:$0x3FB7] =	sst s0;
	s0 =	simm.s32 @!p1 $0x0  }
0x14: {  	s2 =	sld [smem:$0x3F9B];
	s0 =	simm.s32 @p1 $0x1  }
0x15: {  	[smem:$0x3FB8] =	sst s0;
	s0 =	simm.s32 @!p2 $0x0  }
0x16: {  	s3 =	sld [smem:$0x3FDB];
	s0 =	simm.s32 @p2 $0x1  }
0x17: {  	s4 =	simm.s32 $0x1BF5;
	[smem:$0x3FBA] =	sst s0  }
0x18: {  	s0 =	sld [smem:$0x3F9D];
	_ =	swait.ge [sflag:s4], $0x0  }
0x19: {  	s7 =	sld [smem:$0x3F9E]  }
0x1a: {  	s8 =	sadd.s32 $0xFFFFE003, lr  }
0x1b: {  	s9 =	sadd.s32 $0xFFFFFEF7, lr;
	s5 =	simm.s32 $0xFFFFFFFF;
	p2 =	slt.u32 s8, $0xFFFFF086  }
0x1c: {  	p1 =	slt.u32 s9, $0xF7A;
	s5 =	simm.s32 @!p2 $0x0  }
0x1d: {  	s5 =	simm.s32 @p1 $0x1;
	p0 =	seq.s32 s7, s2  }
0x1e: {  	s7 =	smul.u32 @!p0 $0xF7A, s2;
	p2 =	seq.s32 @!p0 s5, $0x0  }
0x1f: {  	s9 =	smul.u32 $0xF7A, s1;
	s8 =	simm.s32 @!p0 $0x1BF5;
	p2 =	por !p2, p0  }
0x20: {  	[sflag:s8] =	ssyncset.s32 @!p0 $0xFFFFF086;
	s6 =	sadd.s32 @!p0 s3, s7;
	s7 =	simm.s32 @!p0 $0x108  }
0x21: {  	s3 =	sadd.s32 s3, s9;
	s6 =	sadd.s32 @!p0 $0x88, s6;
	s7 =	simm.s32 @p2 $0x1082  }
0x22: {  	[simem:s7], [sflag:s8] =	dma.local @!p0 [hbm:s6], $0xF7A  }
0x23: {  	s9 =	sor.u32 $0xD0000000, s2;
	s6 =	simm.s32 $0x108;
	_ =	swait.ge @!p0 [sflag:s8], $0x0  }
0x24: {  	s3 =	sadd.s32 $0x88, s3;
	s6 =	simm.s32 @!p1 $0x1082;
	[sflag:s4] =	ssyncset.s32 $0xFFFFF086  }
0x25: {  	[simem:s6], [sflag:s4] =	dma.local [hbm:s3], $0xF7A  }
0x26: {  	[smem:$0x3F9E] =	sst s1;
	(tag) =	ssettag s2;
	_ =	strace s9  }
0x27: {  	s1 =	sld [smem:$0x3FAE]  }
0x28: {  	s2 =	sld [smem:$0x3FAF]  }
0x29: {  	s4 =	sld [smem:$0x3FB1]  }
0x2a: {  	p0 =	seq.s32 s5, $0x0;
	s5 =	sld [smem:$0x3FB2]  }
0x2b: {  	s6 =	sld [smem:$0x3FB3]  }
0x2c: {  	s7 =	sld [smem:$0x3FB4]  }
0x2d: {  	s3 =	simm.s32 $0x108;
	s8 =	sld [smem:$0x3FB5]  }
0x2e: {  	s3 =	simm.s32 @!p0 $0x1082;
	s9 =	sld [smem:$0x3FB6]  }
0x2f: {  	lr =	sadd.s32 s0, s3;
	s0 =	sld [smem:$0x3FAD]  }
0x30: {  	s3 =	sld [smem:$0x3FB0]  }
0x31: {  	[smem:$0x3FB9] =	sst s10  }
0x32: {  	s10 =	sld [smem:$0x3FB7];
	_ =	sdelay $0x3  }
0x33: {  	p0 =	seq.s32 s10, $0x1;
	s10 =	sld [smem:$0x3FB9];
	_ =	sdelay $0x3  }
0x34: {  	[smem:$0x3FB9] =	sst s10  }
0x35: {  	s10 =	sld [smem:$0x3FB8];
	_ =	sdelay $0x3  }
0x36: {  	p1 =	seq.s32 s10, $0x1;
	s10 =	sld [smem:$0x3FB9];
	_ =	sdelay $0x3  }
0x37: {  	[smem:$0x3FB9] =	sst s10  }
0x38: {  	s10 =	sld [smem:$0x3FBA]  }
0x39: {  	_ = 	snop;
	(pc) =	sbr.ind lr, $3  }
0x3a: {  	_ = 	snop  }
0x3b: {  	_ = 	snop  }
0x3c: {  	p2 =	seq.s32 s10, $0x1;
	s10 =	sld [smem:$0x3FB9]  }
0x3d: {  	_ =	shalt  }
0x3e: {  	_ =	shalt  }
0x3f: {  	_ =	shalt  }
0x40: {  	_ =	shalt  }
0x41: {  	_ =	shalt  }
0x42: {  	_ =	shalt  }
0x43: {  	_ =	shalt  }
0x44: {  	_ =	shalt  }
0x45: {  	_ =	shalt  }
0x46: {  	_ =	shalt  }
0x47: {  	_ =	shalt  }
0x48: {  	_ =	shalt  }
0x49: {  	_ =	shalt  }
0x4a: {  	_ =	shalt  }
0x4b: {  	_ =	shalt  }
0x4c: {  	_ =	shalt  }
0x4d: {  	_ =	shalt  }
0x4e: {  	_ =	shalt  }
0x4f: {  	_ =	shalt  }
0x50: {  	_ =	shalt  }
0x51: {  	_ =	shalt  }
0x52: {  	_ =	shalt  }
0x53: {  	_ =	shalt  }
0x54: {  	_ =	shalt  }
0x55: {  	_ =	shalt  }
0x56: {  	_ =	shalt  }
0x57: {  	_ =	shalt  }
0x58: {  	_ =	shalt  }
0x59: {  	_ =	shalt  }
0x5a: {  	_ =	shalt  }
0x5b: {  	_ =	shalt  }
0x5c: {  	_ =	shalt  }
0x5d: {  	_ =	shalt  }
0x5e: {  	_ =	shalt  }
0x5f: {  	_ =	shalt  }
0x60: {  	_ =	shalt  }
0x61: {  	_ =	shalt  }
0x62: {  	_ =	shalt  }
0x63: {  	_ =	shalt  }
0x64: {  	_ =	shalt  }
0x65: {  	_ =	shalt  }
0x66: {  	_ =	shalt  }
0x67: {  	_ =	shalt  }
0x68: {  	_ =	shalt  }
0x69: {  	_ =	shalt  }
0x6a: {  	_ =	shalt  }
0x6b: {  	_ =	shalt  }
0x6c: {  	_ =	shalt  }
0x6d: {  	_ =	shalt  }
0x6e: {  	_ =	shalt  }
0x6f: {  	_ =	shalt  }
0x70: {  	_ =	shalt  }
0x71: {  	_ =	shalt  }
0x72: {  	_ =	shalt  }
0x73: {  	_ =	shalt  }
0x74: {  	_ =	shalt  }
0x75: {  	_ =	shalt  }
0x76: {  	_ =	shalt  }
0x77: {  	_ =	shalt  }
0x78: {  	_ =	shalt  }
0x79: {  	_ =	shalt  }
0x7a: {  	_ =	shalt  }
0x7b: {  	_ =	shalt  }
0x7c: {  	_ =	shalt  }
0x7d: {  	_ =	shalt  }
0x7e: {  	_ =	shalt  }
0x7f: {  	_ =	shalt  }
0x80: {  	_ =	shalt  }
0x81: {  	_ =	shalt  }
0x82: {  	_ =	shalt  }
0x83: {  	_ =	shalt  }
0x84: {  	_ =	shalt  }
0x85: {  	_ =	shalt  }
0x86: {  	_ =	shalt  }
0x87: {  	_ =	shalt  }
.Lfunc_end0:
.L_simem_size_0:
called_computation_lowered:
.L_overlay_start_0:
0x88: {  	s2 =	sld [smem:$0x3FD9]  }
0x89: {  	s3 =	sld [smem:$0x3FFE];
	_ =	sdelay $0x1  }
0x8a: {  	s1 =	srdreg.scid  }
0x8b: {  	s0 =	sand.u32 $0x1, s1  }
0x8c: {  	s17 =	sshll.u32 s0, $0xA;
	s2 =	sadd.s32 s3, s2  }
0x8d: {  	s2 =	sadd.s32 s2, s17  }
0x8e: {  	[smem:$0x3FC5] =	sst s2  }
0x8f: {  	_ = 	snop  }
0x90: {  	s2 =	sld [smem:$0x3FD0];
	(tm) =	ssettm $0x1  }
0x91: {  	s18 =	sld [smem:$0x3FFB];
	_ =	sdelay $0x3  }
0x92: {  	_ =	strace s18  }
0x93: {  	s3 =	sld [smem:$0x3FFC];
	_ =	sdelay $0x3  }
0x94: {  	_ =	strace s3  }
0x95: {  	s3 =	sld [smem:$0x3FFD];
	_ =	sdelay $0x3  }
0x96: {  	_ =	strace s3  }
0x97: {  	_ =	strace $0x8FFFFFFF  }
0x98: {  	s19 =	sld [smem:$0x3FDB];
	_ =	sdelay $0x1  }
0x99: {  	s4 =	simm.s32 $_scs_section_size  }
0x9a: {  	s5 =	simm.s32 $_size__tile_overlayer_lowered;
	s6 =	simm.s32 $_tile_overlayer_lowered  }
0x9b: {  	s22 =	simm.s32 $0x1BFF;
	s21 =	sshll.u32 s6, $0x1;
	s3 =	sadd.s32 s4, s19  }
0x9c: {  	s7 =	simm.s32 $0x0;
	s20 =	sshll.u32 s5, $0x1;
	s5 =	sadd.s32 s21, s3  }
0x9d: {  	[timem:s7], [sflag:s22] =	dma.local [hbm:s5], s20  }
0x9e: {  	_ =	swait.ge [sflag:s22], s20  }
0x9f: {  	s4 =	ssub.s32 $0x0, s20;
	[sflag:s22] =	ssyncset.done $0x0  }
0xa0: {  	[sflag:s22] =	ssyncadd.s32 s4;
	_ =	sdelay $0x1  }
0xa1: {  	s23 =	simm.s32 $0x1B8B  }
0xa2: {  	_ =	swait.ge [sflag:s23], $0x1  }
0xa3: {  	[sflag:s23] =	ssyncset.done $0x0  }
0xa4: {  	s25 =	simm.s32 $0x1B8E;
	s24 =	sld [smem:$0x3FFE];
	[sflag:s23] =	ssyncadd.s32 $0xFFFFFFFF  }
0xa5: {  	s26 =	simm.s32 $execute0_lowered;
	[smem:$0x3FD2] =	sst s25  }
0xa6: {  	s5 =	sshll.u32 s26, $0x1;
	_ =	strace $0x80000046;
	[dreg:$0x1] =	wrdreg $0xFFFFFFFF  }
0xa7: {  	s28 =	simm.s32 $_size_execute0_lowered;
	s3 =	sadd.s32 s3, s5;
	[dreg:$0x0] =	wrdreg $0x0  }
0xa8: {  	s5 =	sshll.u32 s28, $0x1;
	[dreg:$0x2] =	wrdreg s3  }
0xa9: {  	[dreg:$0x3] =	wrdreg s5  }
0xaa: {  	[dreg:$0x4] =	wrdreg $0xC0  }
0xab: {  	_ =	task [dreg:s7], $0x5FFFF  }
0xac: {  	[dreg:$0x1] =	wrdreg $0xFFFFFFFF  }
0xad: {  	[dreg:$0x0] =	wrdreg $0x60  }
0xae: {  	[dreg:$0x2] =	wrdreg s24  }
0xaf: {  	[dreg:$0x3] =	wrdreg s2  }
0xb0: {  	[dreg:$0x4] =	wrdreg $0x9  }
0xb1: {  	_ =	task.clear_ibuf [dreg:s7], $0x5FFFF;
	_ =	strace $0x90000046  }
0xb2: {  	s29 =	simm.s32 $0x9;
	_ =	strace $0x80000048  }
0xb3: {  	_ =	swait.ge [sflag:s29], $0x1  }
0xb4: {  	[sflag:s29] =	ssyncadd.s32 $0xFFFFFFFF  }
0xb5: {  	_ =	strace $0x90000048  }
0xb6: {  	_ =	sfence  }
0xb7: {  	s30 =	sld [smem:$0x0];
	_ =	sdelay $0x2  }
0xb8: {  	s31 =	sshll.u32 s1, $0xD;
	s1 =	sshrl.u32 s1, $0x2  }
0xb9: {  	s3 =	sand.u32 $0x4000, s31;
	s1 =	sadd.s32 s1, s30  }
0xba: {  	s0 =	sor.u32 s3, s0;
	s1 =	sshll.u32 s1, $0x11  }
0xbb: {  	s0 =	sor.u32 s1, s0  }
0xbc: {  	s0 =	sadd.s32 $0x8F2B, s0  }
0xbd: {  	[sflag:s0] =	ssyncadd.remote.s32 $0x1  }
0xbe: {  	_ =	sfence.sel $0xFFFF  }
0xbf: {  	[dreg:$0x0] =	wrdreg $0xFFFFFFFF;
	(pc) =	sbr.abs _section_cstart, $3  }
0xc0: {  	[dreg:$0x1] =	wrdreg $0xFFFFFFFF  }
0xc1: {  	_ =	task.clear_ibuf [dreg:s7], $0x2FFFF;
	_ =	strace $0x9FFFFFFF  }
0xc2: {  	(tm) =	ssettm $0x7FFFFFFF  }
0xc3: {  	_ =	shalt  }
tec
execute0_lowered:
.L_overlay_start_1:
0x0: {  	(tag) =	ssettag $0x1  }
0x1: {  	s1 =	srdreg.scid;
	s0 =	stileid.u32  }
0x2: {  	s29 =	sand.u32 $0x1, s1;
	s26 =	sshll.u32 s0, $0x1  }
0x3: {  	s1 =	sor.u32 s29, s26  }
0x4: {  	s30 =	rddreg [dreg:$0x0];
	s4 =	smul.u32 $0x6380, s1  }
0x5: {  	s3 =	rddreg [dreg:$0x1];
	s2 =	simm.s32 $0x0  }
0x6: {  	[smem:$0x7FF] =	sst s2;
	s31 =	sshrl.u32 s4, $0x3  }
0x7: {  	_ =	strace $0x80000047;
	s4 =	sadd.s32 s3, s31;
	s3 =	simm.s32 $0x2  }
0x8: {  	[tilespmem:s2], [sflag:$0x2] =	stream.linear.gather [hbm4b:s4+s2], $0xC70, $0x38;
	[tilespmem:$0xC700] =	vst v63  }
0x9: {  	_ =	swait.ge [sflag:s3], $0xC70  }
0xa: {  	s6 =	simm.s32 $0xC70;
	[sflag:s3] =	ssyncset.done $0x0  }
0xb: {  	s7 =	simm.s32 $0x6380;
	s5 =	sadd.s32 $0xC00, s30;
	[sflag:s3] =	ssyncadd.s32 $0xFFFFF390  }
0xc: {  	[tilespmem:s7], [sflag:$0x1] =	stream.indirect.gather [hbm4b:s5+s6], $0x1, s2, s6, $0xb8;
	[tilespmem:$0xC700] =	vst v63  }
0xd: {  	s8 =	sadd.s32 $0x18E, s4  }
0xe: {  	[tilespmem:s6], [sflag:$0x2] =	stream.linear.gather [hbm4b:s8+s2], $0xC70, $0x38;
	[tilespmem:$0xC700] =	vst v63  }
0xf: {  	_ =	swait.ge [sflag:s3], $0xC70  }
0x10: {  	[sflag:s3] =	ssyncset.done $0x0  }
0x11: {  	s9 =	simm.s32 $0x6FF0;
	[sflag:s3] =	ssyncadd.s32 $0xFFFFF390  }
0x12: {  	[tilespmem:s9], [sflag:$0x1] =	stream.indirect.gather [hbm4b:s5+s6], $0x1, s6, s6, $0xb8;
	[tilespmem:$0xC700] =	vst v63  }
0x13: {  	s11 =	simm.s32 $0x18E0;
	s10 =	sadd.s32 $0x31C, s4  }
0x14: {  	[tilespmem:s11], [sflag:$0x2] =	stream.linear.gather [hbm4b:s10+s2], $0xC70, $0x38;
	[tilespmem:$0xC700] =	vst v63  }
0x15: {  	_ =	swait.ge [sflag:s3], $0xC70  }
0x16: {  	[sflag:s3] =	ssyncset.done $0x0  }
0x17: {  	s12 =	simm.s32 $0x7C60;
	[sflag:s3] =	ssyncadd.s32 $0xFFFFF390  }
0x18: {  	[tilespmem:s12], [sflag:$0x1] =	stream.indirect.gather [hbm4b:s5+s6], $0x1, s11, s6, $0xb8;
	[tilespmem:$0xC700] =	vst v63  }
0x19: {  	s14 =	simm.s32 $0x2550;
	s13 =	sadd.s32 $0x4AA, s4  }
0x1a: {  	[tilespmem:s14], [sflag:$0x2] =	stream.linear.gather [hbm4b:s13+s2], $0xC70, $0x38;
	[tilespmem:$0xC700] =	vst v63  }
0x1b: {  	_ =	swait.ge [sflag:s3], $0xC70  }
0x1c: {  	[sflag:s3] =	ssyncset.done $0x0  }
0x1d: {  	s15 =	simm.s32 $0x88D0;
	[sflag:s3] =	ssyncadd.s32 $0xFFFFF390  }
0x1e: {  	[tilespmem:s15], [sflag:$0x1] =	stream.indirect.gather [hbm4b:s5+s6], $0x1, s14, s6, $0xb8;
	[tilespmem:$0xC700] =	vst v63  }
0x1f: {  	s17 =	simm.s32 $0x31C0;
	s16 =	sadd.s32 $0x638, s4  }
0x20: {  	[tilespmem:s17], [sflag:$0x2] =	stream.linear.gather [hbm4b:s16+s2], $0xC70, $0x38;
	[tilespmem:$0xC700] =	vst v63  }
0x21: {  	_ =	swait.ge [sflag:s3], $0xC70  }
0x22: {  	[sflag:s3] =	ssyncset.done $0x0  }
0x23: {  	s18 =	simm.s32 $0x9540;
	[sflag:s3] =	ssyncadd.s32 $0xFFFFF390  }
0x24: {  	[tilespmem:s18], [sflag:$0x1] =	stream.indirect.gather [hbm4b:s5+s6], $0x1, s17, s6, $0xb8;
	[tilespmem:$0xC700] =	vst v63  }
0x25: {  	s20 =	simm.s32 $0x3E30;
	s19 =	sadd.s32 $0x7C6, s4  }
0x26: {  	[tilespmem:s20], [sflag:$0x2] =	stream.linear.gather [hbm4b:s19+s2], $0xC70, $0x38;
	[tilespmem:$0xC700] =	vst v63  }
0x27: {  	_ =	swait.ge [sflag:s3], $0xC70  }
0x28: {  	[sflag:s3] =	ssyncset.done $0x0  }
0x29: {  	s21 =	simm.s32 $0xA1B0;
	[sflag:s3] =	ssyncadd.s32 $0xFFFFF390  }
0x2a: {  	[tilespmem:s21], [sflag:$0x1] =	stream.indirect.gather [hbm4b:s5+s6], $0x1, s20, s6, $0xb8;
	[tilespmem:$0xC700] =	vst v63  }
0x2b: {  	s23 =	simm.s32 $0x4AA0;
	s22 =	sadd.s32 $0x954, s4  }
0x2c: {  	[tilespmem:s23], [sflag:$0x2] =	stream.linear.gather [hbm4b:s22+s2], $0xC70, $0x38;
	[tilespmem:$0xC700] =	vst v63  }
0x2d: {  	_ =	swait.ge [sflag:s3], $0xC70  }
0x2e: {  	[sflag:s3] =	ssyncset.done $0x0  }
0x2f: {  	s24 =	simm.s32 $0xAE20;
	[sflag:s3] =	ssyncadd.s32 $0xFFFFF390  }
0x30: {  	[tilespmem:s24], [sflag:$0x1] =	stream.indirect.gather [hbm4b:s5+s6], $0x1, s23, s6, $0xb8;
	[tilespmem:$0xC700] =	vst v63  }
0x31: {  	s26 =	simm.s32 $0x5710;
	s1 =	ssub.s32 $0x2, s29;
	s25 =	sadd.s32 $0xAE2, s4  }
0x32: {  	[tilespmem:s26], [sflag:$0x2] =	stream.linear.gather [hbm4b:s25+s2], $0xC70, $0x38;
	[tilespmem:$0xC700] =	vst v63  }
0x33: {  	s0 =	sshrl.u32 s1, $0x1;
	_ =	swait.ge [sflag:s3], $0xC70  }
0x34: {  	s28 =	simm.s32 $0xBA90;
	s0 =	ssub.s32 s1, s0;
	[sflag:s3] =	ssyncset.done $0x0  }
0x35: {  	s29 =	simm.s32 $0x1;
	s0 =	smax.u32 s0, $0x1;
	[sflag:s3] =	ssyncadd.s32 $0xFFFFF390  }
0x36: {  	[tilespmem:s28], [sflag:$0x1] =	stream.indirect.gather [hbm4b:s5+s6], $0x1, s26, s6, $0xb8;
	[tilespmem:$0xC700] =	vst v63  }
0x37: {  	p0 =	sne.s32 s0, $0x1;
	_ =	swait.ge [sflag:s29], $0x6380  }
.Ltmp0:
0x38: {  	s30 =	sadd.s32 s31, s30;
	[sflag:s29] =	ssyncset.done $0x0;
	(pc) =	sbr.rel @!p0 .LBB2_2-.Ltmp0, $4  }
0x39: {  	s30 =	sadd.s32 $0x20C00, s30;
	[sflag:s29] =	ssyncadd.s32 $0xFFFF9C80  }
0x3a: {  	[hbm4b:s30+s2] =	stream.linear.scatter [tilespmem:s7], [sflag:$0x2], $0x6380, $0x38;
	[tilespmem:$0xC700] =	vst v63  }
0x3b: {  	_ =	swait.ge [sflag:s3], $0x6380  }
0x3c: {  	s31 =	sadd.s32 $0xFFFFFFFF, s0;
	[sflag:s3] =	ssyncset.done $0x0  }
.LBB2_1:
0x3d: {  	p0 =	sne.s32 s31, $0x1;
	s31 =	sadd.s32 $0xFFFFFFFF, s31;
	[sflag:s3] =	ssyncadd.s32 $0xFFFF9C80  }
0x3e: {  	[tilespmem:s2], [sflag:$0x2] =	stream.linear.gather [hbm4b:s4+s2], $0xC70, $0x38;
	[tilespmem:$0xC700] =	vst v63  }
0x3f: {  	_ =	swait.ge [sflag:s3], $0xC70  }
0x40: {  	[sflag:s3] =	ssyncset.done $0x0  }
0x41: {  	[sflag:s3] =	ssyncadd.s32 $0xFFFFF390  }
0x42: {  	[tilespmem:s7], [sflag:$0x1] =	stream.indirect.gather [hbm4b:s5+s6], $0x1, s2, s6, $0xb8;
	[tilespmem:$0xC700] =	vst v63  }
0x43: {  	_ = 	snop  }
0x44: {  	[tilespmem:s6], [sflag:$0x2] =	stream.linear.gather [hbm4b:s8+s2], $0xC70, $0x38;
	[tilespmem:$0xC700] =	vst v63  }
0x45: {  	_ =	swait.ge [sflag:s3], $0xC70  }
0x46: {  	[sflag:s3] =	ssyncset.done $0x0  }
0x47: {  	[sflag:s3] =	ssyncadd.s32 $0xFFFFF390  }
0x48: {  	[tilespmem:s9], [sflag:$0x1] =	stream.indirect.gather [hbm4b:s5+s6], $0x1, s6, s6, $0xb8;
	[tilespmem:$0xC700] =	vst v63  }
0x49: {  	_ = 	snop  }
0x4a: {  	[tilespmem:s11], [sflag:$0x2] =	stream.linear.gather [hbm4b:s10+s2], $0xC70, $0x38;
	[tilespmem:$0xC700] =	vst v63  }
0x4b: {  	_ =	swait.ge [sflag:s3], $0xC70  }
0x4c: {  	[sflag:s3] =	ssyncset.done $0x0  }
0x4d: {  	[sflag:s3] =	ssyncadd.s32 $0xFFFFF390  }
0x4e: {  	[tilespmem:s12], [sflag:$0x1] =	stream.indirect.gather [hbm4b:s5+s6], $0x1, s11, s6, $0xb8;
	[tilespmem:$0xC700] =	vst v63  }
0x4f: {  	_ = 	snop  }
0x50: {  	[tilespmem:s14], [sflag:$0x2] =	stream.linear.gather [hbm4b:s13+s2], $0xC70, $0x38;
	[tilespmem:$0xC700] =	vst v63  }
0x51: {  	_ =	swait.ge [sflag:s3], $0xC70  }
0x52: {  	[sflag:s3] =	ssyncset.done $0x0  }
0x53: {  	[sflag:s3] =	ssyncadd.s32 $0xFFFFF390  }
0x54: {  	[tilespmem:s15], [sflag:$0x1] =	stream.indirect.gather [hbm4b:s5+s6], $0x1, s14, s6, $0xb8;
	[tilespmem:$0xC700] =	vst v63  }
0x55: {  	_ = 	snop  }
0x56: {  	[tilespmem:s17], [sflag:$0x2] =	stream.linear.gather [hbm4b:s16+s2], $0xC70, $0x38;
	[tilespmem:$0xC700] =	vst v63  }
0x57: {  	_ =	swait.ge [sflag:s3], $0xC70  }
0x58: {  	[sflag:s3] =	ssyncset.done $0x0  }
0x59: {  	[sflag:s3] =	ssyncadd.s32 $0xFFFFF390  }
0x5a: {  	[tilespmem:s18], [sflag:$0x1] =	stream.indirect.gather [hbm4b:s5+s6], $0x1, s17, s6, $0xb8;
	[tilespmem:$0xC700] =	vst v63  }
0x5b: {  	_ = 	snop  }
0x5c: {  	[tilespmem:s20], [sflag:$0x2] =	stream.linear.gather [hbm4b:s19+s2], $0xC70, $0x38;
	[tilespmem:$0xC700] =	vst v63  }
0x5d: {  	_ =	swait.ge [sflag:s3], $0xC70  }
0x5e: {  	[sflag:s3] =	ssyncset.done $0x0  }
0x5f: {  	[sflag:s3] =	ssyncadd.s32 $0xFFFFF390  }
0x60: {  	[tilespmem:s21], [sflag:$0x1] =	stream.indirect.gather [hbm4b:s5+s6], $0x1, s20, s6, $0xb8;
	[tilespmem:$0xC700] =	vst v63  }
0x61: {  	_ = 	snop  }
0x62: {  	[tilespmem:s23], [sflag:$0x2] =	stream.linear.gather [hbm4b:s22+s2], $0xC70, $0x38;
	[tilespmem:$0xC700] =	vst v63  }
0x63: {  	_ =	swait.ge [sflag:s3], $0xC70  }
0x64: {  	[sflag:s3] =	ssyncset.done $0x0  }
0x65: {  	[sflag:s3] =	ssyncadd.s32 $0xFFFFF390  }
0x66: {  	[tilespmem:s24], [sflag:$0x1] =	stream.indirect.gather [hbm4b:s5+s6], $0x1, s23, s6, $0xb8;
	[tilespmem:$0xC700] =	vst v63  }
0x67: {  	_ = 	snop  }
0x68: {  	[tilespmem:s26], [sflag:$0x2] =	stream.linear.gather [hbm4b:s25+s2], $0xC70, $0x38;
	[tilespmem:$0xC700] =	vst v63  }
0x69: {  	_ =	swait.ge [sflag:s3], $0xC70  }
0x6a: {  	[sflag:s3] =	ssyncset.done $0x0  }
0x6b: {  	[sflag:s3] =	ssyncadd.s32 $0xFFFFF390  }
0x6c: {  	[tilespmem:s28], [sflag:$0x1] =	stream.indirect.gather [hbm4b:s5+s6], $0x1, s26, s6, $0xb8;
	[tilespmem:$0xC700] =	vst v63  }
0x6d: {  	_ =	swait.ge [sflag:s29], $0x6380  }
.Ltmp1:
0x6e: {  	[sflag:s29] =	ssyncset.done $0x0;
	(pc) =	sbr.rel @p0 .LBB2_1-.Ltmp1, $4  }
0x6f: {  	[sflag:s29] =	ssyncadd.s32 $0xFFFF9C80  }
0x70: {  	[hbm4b:s30+s2] =	stream.linear.scatter [tilespmem:s7], [sflag:$0x2], $0x6380, $0x38;
	[tilespmem:$0xC700] =	vst v63  }
0x71: {  	_ =	swait.ge [sflag:s3], $0x6380  }
0x72: {  	[sflag:s3] =	ssyncset.done $0x0  }
.LBB2_2:
0x73: {  	[sflag:s3] =	ssyncadd.s32 $0xFFFF9C80  }
0x74: {  	_ =	sfence.sel $0x180000  }
0x75: {  	[bflag:$0x0] =	sbarrier.arrive $0xFFFF  }
0x76: {  	_ =	strace $0x90000047  }
0x77: {  	s0 =	stileid.u32;
	[bflag:$0x2] =	sbarrier.arrive $0xFFFF  }
0x78: {  	p0 =	sne.s32 s0, $0x0;
	s0 =	rddreg [dreg:$0x2]  }
0x79: {  	s0 =	sadd.s32 @!p0 $0x100000, s0  }
0x7a: {  	[sflag:s0] =	ssyncadd.tile.s32 @!p0 $0x1;
	_ =	shalt  }
.Lfunc_end2:
_tile_overlayer_lowered:
.L_overlay_start_2:
0x7b: {  	(tag) =	ssettag $0x2  }
0x7c: {  	s0 =	rddreg [dreg:$0x0];
	s2 =	stileid.u32  }
0x7d: {  	s1 =	rddreg [dreg:$0x1];
	p0 =	sne.s32 s2, $0x0  }
0x7e: {  	s3 =	rddreg [dreg:$0x2];
	[bflag:$0x3] =	sbarrier.arrive $0xFFFF;
	s2 =	simm.s32 @!p0 $0x1C02  }
0x7f: {  	[timem:s3], [sflag:s2] =	dma.local @!p0 [hbm:s0], s1  }
0x80: {  	s0 =	simm.s32 @!p0 $0x2  }
0x81: {  	_ =	swait.ge @!p0 [sflag:s0], s1  }
0x82: {  	s1 =	ssub.s32 @!p0 $0x0, s1;
	[sflag:s0] =	ssyncset.done @!p0 $0x0  }
0x83: {  	[sflag:s0] =	ssyncadd.s32 @!p0 s1  }
0x84: {  	[bflag:$0x3] =	sbarrier.arrive $0xFFFF  }
0x85: {  	_ =	shalt  }

</sc_bundles>
